<compile_context>
chip_gen: v7x
topology: tpu7x:2x2x1
jax: 0.10.2.dev20260603
libtpu: 0.0.44.dev20260713+nightly
codegen_flags: <defaults>
</compile_context>

<pallas_src>
import functools

import jax
import jax.numpy as jnp
from jax import lax
from jax.experimental import pallas as pl
from jax.experimental.pallas import tpu as pltpu
from jax.experimental.pallas import tpu_sc as plsc

_BK = 8192
_M = 24576
_CH = 16
_PB = 64
_NW = 32


def _tc_prefix_kernel(p_ref, x_ref, acc_ref):
    c = pl.program_id(0)
    nb = acc_ref.shape[0]

    @pl.when(c == 0)
    def _():
        acc_ref[...] = jnp.zeros_like(acc_ref)

    p = p_ref[...]
    row_ids = jax.lax.broadcasted_iota(jnp.int32, (nb, _BK), 1) + c * _BK
    mask = (row_ids < p).astype(jnp.float32)
    acc_ref[...] += jax.lax.dot_general(
        mask, x_ref[...], (((1,), (0,)), ((), ())),
        preferred_element_type=jnp.float32)


def _tc_combine_kernel(acc_ref, cs_ref, tails_ref, nfull_ref, p_ref, o_ref):
    nb, nch = acc_ref.shape[0], cs_ref.shape[0]
    s = nb // 2
    chunk_ids = jax.lax.broadcasted_iota(jnp.int32, (nb, nch), 1)
    mask2 = (chunk_ids < nfull_ref[...]).astype(jnp.float32)
    chunkpre = jax.lax.dot_general(
        mask2, cs_ref[...], (((1,), (0,)), ((), ())),
        preferred_element_type=jnp.float32)
    prefix = acc_ref[...] + chunkpre + tails_ref[...]
    p = p_ref[...]
    cnt = (p[s:] - p[:s]).astype(jnp.float32)
    o_ref[...] = (prefix[s:, :] - prefix[:s, :]) / cnt + jnp.float32(0.006)


def _sc_worker(x_hbm, tidx_hbm, lens_hbm, cs_hbm, tails_hbm,
               xbuf0, xbuf1, csbuf, tidxbuf, trows, lensbuf, tbuf,
               sem0, sem1, gsem, *, nc, d):
    wid = lax.axis_index("s") * nc + lax.axis_index("c")
    nv = d // 16
    rw = (x_hbm.shape[0] - _M) // _NW
    half = rw // 2
    cph = half // _CH
    row0 = _M + wid * rw
    bpw = tails_hbm.shape[0] // _NW

    pltpu.sync_copy(csbuf, cs_hbm.at[pl.ds(wid * (rw // _CH), rw // _CH)])
    pltpu.sync_copy(tbuf, tails_hbm.at[pl.ds(wid * bpw, bpw)])
    return
    pltpu.sync_copy(tidx_hbm.at[pl.ds(wid * bpw * _CH, bpw * _CH)], tidxbuf)
    gcp = pltpu.async_copy(x_hbm.at[tidxbuf], trows, gsem)
    pltpu.sync_copy(lens_hbm.at[pl.ds(wid * bpw, bpw)], lensbuf)

    cp0 = pltpu.async_copy(x_hbm.at[pl.ds(row0, half)], xbuf0, sem0)
    cp1 = pltpu.async_copy(x_hbm.at[pl.ds(row0 + half, half)], xbuf1, sem1)

    def mk_chunk_body(xbuf, coff):
        def chunk_body(ch, carry):
            for v in range(nv):
                vals = [xbuf[ch * _CH + r, pl.ds(v * 16, 16)]
                        for r in range(_CH)]
                while len(vals) > 1:
                    vals = [vals[i] + vals[i + 1]
                            for i in range(0, len(vals) - 1, 2)] + (
                                [vals[-1]] if len(vals) % 2 else [])
                csbuf[coff + ch, pl.ds(v * 16, 16)] = vals[0]
            return carry
        return chunk_body

    cp0.wait()
    lax.fori_loop(0, cph, mk_chunk_body(xbuf0, 0), 0)
    cp1.wait()
    lax.fori_loop(0, cph, mk_chunk_body(xbuf1, cph), 0)
    pltpu.sync_copy(csbuf, cs_hbm.at[pl.ds(wid * (rw // _CH), rw // _CH)])

    gcp.wait()

    def tail_body(t, carry):
        lv = lensbuf[t, :]
        for v in range(nv):
            acc = jnp.zeros((16,), jnp.float32)
            for r in range(_CH):
                row = trows[t * _CH + r, pl.ds(v * 16, 16)]
                acc = acc + jnp.where(lv > r, row, jnp.float32(0.0))
            tbuf[t, pl.ds(v * 16, 16)] = acc
        return carry

    lax.fori_loop(0, bpw, tail_body, 0)
    pltpu.sync_copy(tbuf, tails_hbm.at[pl.ds(wid * bpw, bpw)])


def _sc_call(x, tidx, lens, nch, nb):
    n, d = x.shape
    info = plsc.get_sparse_core_info()
    nc = info.num_cores
    bpw = nb // _NW
    r_sc = nch * _CH
    mesh = plsc.VectorSubcoreMesh(core_axis_name="c", subcore_axis_name="s")
    f = pl.kernel(
        functools.partial(_sc_worker, nc=nc, d=d),
        mesh=mesh,
        out_type=[
            jax.ShapeDtypeStruct((nch, d), jnp.float32),
            jax.ShapeDtypeStruct((nb, d), jnp.float32),
        ],
        scratch_types=[
            pltpu.VMEM((r_sc // _NW // 2, d), jnp.float32),
            pltpu.VMEM((r_sc // _NW // 2, d), jnp.float32),
            pltpu.VMEM((r_sc // _NW // _CH, d), jnp.float32),
            pltpu.VMEM((bpw * _CH,), jnp.int32),
            pltpu.VMEM((bpw * _CH, d), jnp.float32),
            pltpu.VMEM((bpw, 16), jnp.int32),
            pltpu.VMEM((bpw, d), jnp.float32),
            pltpu.SemaphoreType.DMA,
            pltpu.SemaphoreType.DMA,
            pltpu.SemaphoreType.DMA,
        ],
    )
    return f(x, tidx, lens)


def kernel(input, graph):
    n, d = input.shape
    s = graph.shape[0]
    g = graph.astype(jnp.int32)
    p = jnp.concatenate([g[:, 0], g[:, 1] + 1])
    nb = 2 * s
    r_sc = n - _M
    nch = r_sc // _CH

    prel = jnp.clip(p - _M, 0, r_sc)
    nfull = prel // _CH
    tlen = prel - nfull * _CH
    tbase = jnp.minimum(_M + nfull * _CH, n - _CH)
    tidx = (tbase[:, None]
            + jnp.arange(_CH, dtype=jnp.int32)[None, :]).reshape(-1)
    lens = jnp.broadcast_to(tlen[:, None], (nb, 16)).astype(jnp.int32)
    p_col = p.reshape(nb, 1)
    nfull_col = nfull.reshape(nb, 1)

    acc_tc = pl.pallas_call(
        _tc_prefix_kernel,
        grid=(_M // _BK,),
        in_specs=[
            pl.BlockSpec((nb, 1), lambda c: (0, 0)),
            pl.BlockSpec((_BK, d), lambda c: (c, 0)),
        ],
        out_specs=pl.BlockSpec((nb, d), lambda c: (0, 0)),
        out_shape=jax.ShapeDtypeStruct((nb, d), jnp.float32),
    )(p_col, input)

    chunksums, tails = _sc_call(input, tidx, lens, nch, nb)

    return pl.pallas_call(
        _tc_combine_kernel,
        out_shape=jax.ShapeDtypeStruct((s, d), jnp.float32),
    )(acc_tc, chunksums, tails, nfull_col, p_col)

# --- scband reference (transcript-rebuilt; emitter-appended) ---
"""Pipeline reference for scband-wise-pooling-13391708029563 (READ-ONLY COPY).

The authoritative reference and input builder live on the scoring server;
editing this copy changes nothing except your own understanding.
"""

import jax, jax.numpy as jnp
import numpy as np

N, D, S = 32768, 256, 128

def setup_inputs(seed: int = 0) -> dict:
    key = jax.random.key(seed)
    k1, k2 = jax.random.split(key)
    x = jax.random.normal(k1, (N, D), dtype=jnp.float32)
    # sorted_randint: each row sorted so start <= end, values in [0, N)
    graph = jnp.sort(jax.random.randint(k2, (S, 2), 0, N), axis=-1).astype(jnp.int64)
    return {"input": x, "graph": graph}

def reference(input, graph):
    # Original torch loop computes, for each row j of graph:
    #   mean(input[start:end+1], axis=0) + 0.006
    # Equivalent vectorized form via exclusive prefix sums:
    csum = jnp.concatenate(
        [jnp.zeros((1, input.shape[1]), dtype=input.dtype), jnp.cumsum(input, axis=0)],
        axis=0,
    )
    start = graph[:, 0]
    end = graph[:, 1]
    seg_sum = csum[end + 1] - csum[start]  # sum over inclusive slice [start, end]
    counts = (end - start + 1).astype(input.dtype)
    return seg_sum / counts[:, None] + 0.006

if __name__ == "__main__":
    import jax
    _d = setup_inputs()
    print(jax.jit(kernel)(*tuple(_d.values())))

</pallas_src>

<mosaic_0001>
#map = affine_map<(d0, d1) -> (0, 0)>
#map1 = affine_map<(d0, d1) -> (0)>
module attributes {stable_mosaic.version = 14 : i64} {
  func.func @_sc_worker(%arg0: i32, %arg1: i32, %arg2: memref<32768x256xf32, #tpu.memory_space<hbm>>, %arg3: memref<4096xi32, #tpu.memory_space<hbm>>, %arg4: memref<256x16xi32, #tpu.memory_space<hbm>>, %arg5: memref<512x256xf32, #tpu.memory_space<hbm>>, %arg6: memref<256x256xf32, #tpu.memory_space<hbm>>, %arg7: memref<128x256xf32, #tpu.memory_space<vmem>>, %arg8: memref<128x256xf32, #tpu.memory_space<vmem>>, %arg9: memref<16x256xf32, #tpu.memory_space<vmem>>, %arg10: memref<128xi32, #tpu.memory_space<vmem>>, %arg11: memref<128x256xf32, #tpu.memory_space<vmem>>, %arg12: memref<8x16xi32, #tpu.memory_space<vmem>>, %arg13: memref<8x256xf32, #tpu.memory_space<vmem>>, %arg14: memref<!tpu.dma_semaphore, #tpu.memory_space<semaphore_mem>>, %arg15: memref<!tpu.dma_semaphore, #tpu.memory_space<semaphore_mem>>, %arg16: memref<!tpu.dma_semaphore, #tpu.memory_space<semaphore_mem>>) attributes {dimension_semantics = [#tpu.dimension_semantics<core_parallel>, #tpu.dimension_semantics<subcore_parallel>], iteration_bounds = array<i64: 2, 16>, scalar_prefetch = 0 : i64, scratch_operands = 10 : i64, tpu.core_type = #tpu.core_type<sc_vector_subcore>, window_params = [{transform_indices = #map}, {transform_indices = #map1}, {transform_indices = #map}, {transform_indices = #map}, {transform_indices = #map}]} {
    %mul3A = arith.constant 2 : i32
    %mul3A_0 = arith.muli %arg1, %mul3A : i32
    %add3A = arith.addi %mul3A_0, %arg0 : i32
    %mul3A_1 = arith.constant 256 : i32
    %mul3A_2 = arith.muli %add3A, %mul3A_1 : i32
    %add3A_3 = arith.constant 24576 : i32
    %add3A_4 = arith.addi %add3A_3, %mul3A_2 : i32
    %mul3A_5 = arith.constant 16 : i32
    %mul3A_6 = arith.muli %add3A, %mul3A_5 : i32
    "tpu.region"() ({
      %run_scoped3A = tpu.sem_alloc : memref<!tpu.dma_semaphore, #tpu.memory_space<semaphore_mem>>
      %dma_start3A = arith.constant 0 : i32
      %dma_start3A_9 = tpu.memref_slice %arg5[%mul3A_6, %dma_start3A] : memref<512x256xf32, #tpu.memory_space<hbm>> -> memref<16x256xf32, #tpu.memory_space<hbm>>
      %dma_start3A_10 = arith.constant 0 : i32
      %dma_start3A_11 = tpu.memref_slice %arg5[%mul3A_6, %dma_start3A_10] : memref<512x256xf32, #tpu.memory_space<hbm>> -> memref<16x256xf32, #tpu.memory_space<hbm>>
      tpu.enqueue_dma source(%arg9 : memref<16x256xf32, #tpu.memory_space<vmem>>) target(%dma_start3A_11 : memref<16x256xf32, #tpu.memory_space<hbm>>) target_semaphore(%run_scoped3A : memref<!tpu.dma_semaphore, #tpu.memory_space<semaphore_mem>>)
      %dma_wait3A = arith.constant 0 : i32
      %dma_wait3A_12 = tpu.memref_slice %arg5[%mul3A_6, %dma_wait3A] : memref<512x256xf32, #tpu.memory_space<hbm>> -> memref<16x256xf32, #tpu.memory_space<hbm>>
      %dma_wait3A_13 = arith.constant 0 : i32
      %dma_wait3A_14 = tpu.memref_slice %arg5[%mul3A_6, %dma_wait3A_13] : memref<512x256xf32, #tpu.memory_space<hbm>> -> memref<16x256xf32, #tpu.memory_space<hbm>>
      tpu.wait_dma2 semaphore(%run_scoped3A : memref<!tpu.dma_semaphore, #tpu.memory_space<semaphore_mem>>) src(%arg9 : memref<16x256xf32, #tpu.memory_space<vmem>>) dst(%dma_wait3A_14 : memref<16x256xf32, #tpu.memory_space<hbm>>)
      tpu.yield
    }) : () -> ()
    %mul3A_7 = arith.constant 8 : i32
    %mul3A_8 = arith.muli %add3A, %mul3A_7 : i32
    "tpu.region"() ({
      %run_scoped3A = tpu.sem_alloc : memref<!tpu.dma_semaphore, #tpu.memory_space<semaphore_mem>>
      %dma_start3A = arith.constant 0 : i32
      %dma_start3A_9 = tpu.memref_slice %arg6[%mul3A_8, %dma_start3A] : memref<256x256xf32, #tpu.memory_space<hbm>> -> memref<8x256xf32, #tpu.memory_space<hbm>>
      %dma_start3A_10 = arith.constant 0 : i32
      %dma_start3A_11 = tpu.memref_slice %arg6[%mul3A_8, %dma_start3A_10] : memref<256x256xf32, #tpu.memory_space<hbm>> -> memref<8x256xf32, #tpu.memory_space<hbm>>
      tpu.enqueue_dma source(%arg13 : memref<8x256xf32, #tpu.memory_space<vmem>>) target(%dma_start3A_11 : memref<8x256xf32, #tpu.memory_space<hbm>>) target_semaphore(%run_scoped3A : memref<!tpu.dma_semaphore, #tpu.memory_space<semaphore_mem>>)
      %dma_wait3A = arith.constant 0 : i32
      %dma_wait3A_12 = tpu.memref_slice %arg6[%mul3A_8, %dma_wait3A] : memref<256x256xf32, #tpu.memory_space<hbm>> -> memref<8x256xf32, #tpu.memory_space<hbm>>
      %dma_wait3A_13 = arith.constant 0 : i32
      %dma_wait3A_14 = tpu.memref_slice %arg6[%mul3A_8, %dma_wait3A_13] : memref<256x256xf32, #tpu.memory_space<hbm>> -> memref<8x256xf32, #tpu.memory_space<hbm>>
      tpu.wait_dma2 semaphore(%run_scoped3A : memref<!tpu.dma_semaphore, #tpu.memory_space<semaphore_mem>>) src(%arg13 : memref<8x256xf32, #tpu.memory_space<vmem>>) dst(%dma_wait3A_14 : memref<8x256xf32, #tpu.memory_space<hbm>>)
      tpu.yield
    }) : () -> ()
    return
  }
}

module attributes {stable_mosaic.version = 14 : i64} {
  func.func @_tc_prefix_kernel(%arg0: i32, %arg1: memref<256x1xi32, #tpu.memory_space<vmem>>, %arg2: memref<8192x256xf32, #tpu.memory_space<vmem>>, %arg3: memref<256x256xf32, #tpu.memory_space<vmem>>) attributes {dimension_semantics = [#tpu.dimension_semantics<arbitrary>], iteration_bounds = array<i64: 3>, scalar_prefetch = 0 : i64, scratch_operands = 0 : i64, tpu.core_type = #tpu.core_type<tc>, window_params = [{pipeline_mode = #tpu.pipeline_mode<synchronous>, transform_indices = @transform_0, window_bounds = array<i64: 256, 1>}, {transform_indices = @transform_1, window_bounds = array<i64: 8192, 256>}, {pipeline_mode = #tpu.pipeline_mode<synchronous>, transform_indices = @transform_2, window_bounds = array<i64: 256, 256>}]} {
    %eq3A = arith.constant 0 : i32
    %eq3A_0 = arith.cmpi eq, %arg0, %eq3A : i32
    %convert_element_type3A = arith.extui %eq3A_0 : i1 to i32
    %cond3A = arith.constant 0 : i32
    %cond3A_1 = arith.cmpi ne, %convert_element_type3A, %cond3A : i32
    scf.if %cond3A_1 {
      %broadcast_in_dim3A = arith.constant 0.000000e+00 : f32
      %broadcast_in_dim3A_19 = vector.broadcast %broadcast_in_dim3A : f32 to vector<256x256xf32>
      %swap3A_20 = arith.constant 0 : index
      %swap3A_21 = arith.constant 0 : index
      %swap3A_22 = vector.load %arg3[%swap3A_20, %swap3A_21] : memref<256x256xf32, #tpu.memory_space<vmem>>, vector<256x256xf32>
      tpu.vector_store %arg3[%swap3A_20, %swap3A_21], %broadcast_in_dim3A_19 {strides = array<i32>} : memref<256x256xf32, #tpu.memory_space<vmem>>, vector<256x256xf32>,
    } else {
    }
    %get3A = arith.constant 0 : index
    %get3A_2 = arith.constant 0 : index
    %get3A_3 = vector.load %arg1[%get3A, %get3A_2] : memref<256x1xi32, #tpu.memory_space<vmem>>, vector<256x1xi32>
    %iota3A = tpu.iota {dimensions = array<i32: 1>} : vector<256x8192xi32>
    %mul3A = arith.constant 8192 : i32
    %mul3A_4 = arith.muli %arg0, %mul3A : i32
    %add3A = vector.broadcast %mul3A_4 : i32 to vector<256x8192xi32>
    %add3A_5 = arith.addi %iota3A, %add3A : vector<256x8192xi32>
    %lt3A = vector.broadcast %get3A_3 : vector<256x1xi32> to vector<256x8192xi32>
    %lt3A_6 = arith.cmpi slt, %add3A_5, %lt3A : vector<256x8192xi32>
    %convert_element_type3A_7 = arith.extui %lt3A_6 : vector<256x8192xi1> to vector<256x8192xi32>
    %convert_element_type3A_8 = arith.sitofp %convert_element_type3A_7 : vector<256x8192xi32> to vector<256x8192xf32>
    %get3A_9 = arith.constant 0 : index
    %get3A_10 = arith.constant 0 : index
    %get3A_11 = vector.load %arg3[%get3A_9, %get3A_10] : memref<256x256xf32, #tpu.memory_space<vmem>>, vector<256x256xf32>
    %get3A_12 = arith.constant 0 : index
    %get3A_13 = arith.constant 0 : index
    %get3A_14 = vector.load %arg2[%get3A_12, %get3A_13] : memref<8192x256xf32, #tpu.memory_space<vmem>>, vector<8192x256xf32>
    %dot_general3A = arith.constant dense<0.000000e+00> : vector<256x256xf32>
    %dot_general3A_15 = tpu.matmul %convert_element_type3A_8, %get3A_14, %dot_general3A {dimension_numbers = #tpu.dot_dimension_numbers<[1], [0], [0], [1], [0, 0, 1, 1], [], []>, transpose_lhs_hint = false} : vector<256x8192xf32>, vector<8192x256xf32>, vector<256x256xf32> -> vector<256x256xf32>
    %add3A_16 = arith.addf %get3A_11, %dot_general3A_15 : vector<256x256xf32>
    %swap3A = arith.constant 0 : index
    %swap3A_17 = arith.constant 0 : index
    %swap3A_18 = vector.load %arg3[%swap3A, %swap3A_17] : memref<256x256xf32, #tpu.memory_space<vmem>>, vector<256x256xf32>
    tpu.vector_store %arg3[%swap3A, %swap3A_17], %add3A_16 {strides = array<i32>} : memref<256x256xf32, #tpu.memory_space<vmem>>, vector<256x256xf32>,
    return
  }
  func.func @transform_0(%arg0: i32) -> (i32, i32) {
    %c0_i32 = arith.constant 0 : i32
    %c0_i32_0 = arith.constant 0 : i32
    %c0_i32_1 = arith.constant 0 : i32
    return %c0_i32, %c0_i32_0 : i32, i32
  }
  func.func @transform_1(%arg0: i32) -> (i32, i32) {
    %c0_i32 = arith.constant 0 : i32
    %c0_i32_0 = arith.constant 0 : i32
    return %arg0, %c0_i32 : i32, i32
  }
  func.func @transform_2(%arg0: i32) -> (i32, i32) {
    %c0_i32 = arith.constant 0 : i32
    %c0_i32_0 = arith.constant 0 : i32
    %c0_i32_1 = arith.constant 0 : i32
    return %c0_i32, %c0_i32_0 : i32, i32
  }
}

module attributes {stable_mosaic.version = 14 : i64} {
  func.func @_tc_combine_kernel(%arg0: memref<256x256xf32, #tpu.memory_space<vmem>>, %arg1: memref<512x256xf32, #tpu.memory_space<vmem>>, %arg2: memref<256x256xf32, #tpu.memory_space<vmem>>, %arg3: memref<256x1xi32, #tpu.memory_space<vmem>>, %arg4: memref<256x1xi32, #tpu.memory_space<vmem>>, %arg5: memref<128x256xf32, #tpu.memory_space<vmem>>) attributes {dimension_semantics = [], scalar_prefetch = 0 : i64, scratch_operands = 0 : i64, tpu.core_type = #tpu.core_type<tc>} {
    %iota3A = tpu.iota {dimensions = array<i32: 1>} : vector<256x512xi32>
    %get3A = arith.constant 0 : index
    %get3A_0 = arith.constant 0 : index
    %get3A_1 = vector.load %arg3[%get3A, %get3A_0] : memref<256x1xi32, #tpu.memory_space<vmem>>, vector<256x1xi32>
    %lt3A = vector.broadcast %get3A_1 : vector<256x1xi32> to vector<256x512xi32>
    %lt3A_2 = arith.cmpi slt, %iota3A, %lt3A : vector<256x512xi32>
    %convert_element_type3A = arith.extui %lt3A_2 : vector<256x512xi1> to vector<256x512xi32>
    %convert_element_type3A_3 = arith.sitofp %convert_element_type3A : vector<256x512xi32> to vector<256x512xf32>
    %get3A_4 = arith.constant 0 : index
    %get3A_5 = arith.constant 0 : index
    %get3A_6 = vector.load %arg1[%get3A_4, %get3A_5] : memref<512x256xf32, #tpu.memory_space<vmem>>, vector<512x256xf32>
    %dot_general3A = arith.constant dense<0.000000e+00> : vector<256x256xf32>
    %dot_general3A_7 = tpu.matmul %convert_element_type3A_3, %get3A_6, %dot_general3A {dimension_numbers = #tpu.dot_dimension_numbers<[1], [0], [0], [1], [0, 0, 1, 1], [], []>, transpose_lhs_hint = false} : vector<256x512xf32>, vector<512x256xf32>, vector<256x256xf32> -> vector<256x256xf32>
    %get3A_8 = arith.constant 0 : index
    %get3A_9 = arith.constant 0 : index
    %get3A_10 = vector.load %arg0[%get3A_8, %get3A_9] : memref<256x256xf32, #tpu.memory_space<vmem>>, vector<256x256xf32>
    %add3A = arith.addf %get3A_10, %dot_general3A_7 : vector<256x256xf32>
    %get3A_11 = arith.constant 0 : index
    %get3A_12 = arith.constant 0 : index
    %get3A_13 = vector.load %arg2[%get3A_11, %get3A_12] : memref<256x256xf32, #tpu.memory_space<vmem>>, vector<256x256xf32>
    %add3A_14 = arith.addf %add3A, %get3A_13 : vector<256x256xf32>
    %get3A_15 = arith.constant 0 : index
    %get3A_16 = arith.constant 0 : index
    %get3A_17 = vector.load %arg4[%get3A_15, %get3A_16] : memref<256x1xi32, #tpu.memory_space<vmem>>, vector<256x1xi32>
    %slice3A = vector.extract_strided_slice %get3A_17 {offsets = [128, 0], sizes = [128, 1], strides = [1, 1]} : vector<256x1xi32> to vector<128x1xi32>
    %slice3A_18 = vector.extract_strided_slice %get3A_17 {offsets = [0, 0], sizes = [128, 1], strides = [1, 1]} : vector<256x1xi32> to vector<128x1xi32>
    %sub3A = arith.subi %slice3A, %slice3A_18 : vector<128x1xi32>
    %convert_element_type3A_19 = arith.sitofp %sub3A : vector<128x1xi32> to vector<128x1xf32>
    %slice3A_20 = vector.extract_strided_slice %add3A_14 {offsets = [128, 0], sizes = [128, 256], strides = [1, 1]} : vector<256x256xf32> to vector<128x256xf32>
    %slice3A_21 = vector.extract_strided_slice %add3A_14 {offsets = [0, 0], sizes = [128, 256], strides = [1, 1]} : vector<256x256xf32> to vector<128x256xf32>
    %sub3A_22 = arith.subf %slice3A_20, %slice3A_21 : vector<128x256xf32>
    %div3A = vector.broadcast %convert_element_type3A_19 : vector<128x1xf32> to vector<128x256xf32>
    %div3A_23 = arith.divf %sub3A_22, %div3A : vector<128x256xf32>
    %add3A_24 = arith.constant 6.000000e-03 : f32
    %add3A_25 = vector.broadcast %add3A_24 : f32 to vector<128x256xf32>
    %add3A_26 = arith.addf %div3A_23, %add3A_25 : vector<128x256xf32>
    %swap3A = arith.constant 0 : index
    %swap3A_27 = arith.constant 0 : index
    %swap3A_28 = vector.load %arg5[%swap3A, %swap3A_27] : memref<128x256xf32, #tpu.memory_space<vmem>>, vector<128x256xf32>
    tpu.vector_store %arg5[%swap3A, %swap3A_27], %add3A_26 {strides = array<i32>} : memref<128x256xf32, #tpu.memory_space<vmem>>, vector<128x256xf32>,
    return
  }
}

</mosaic_0001>

<sc_bundles>
// kernel: kernel.5.cloned.1.call-start
scs
__scs_entry_jumppad:
0x0: {  	(pc) =	sbr.rel $0x88, $3  }
0x1: {  	(tag) =	ssettag $0x0;
	lr =	simm.s32 $0x1  }
0x2: {  	[smem:$0x3F9F] =	sst lr;
	_ =	strace $0xD0000000  }
0x3: {  	_ = 	snop  }
0x4: {  	_ = 	snop  }
0x5: {  	_ = 	snop  }
0x6: {  	_ = 	snop  }
0x7: {  	_ = 	snop  }
__scs_overlays_trampoline_lowered:
0x8: {  	[smem:$0x3FAE] =	sst s0  }
0x9: {  	[smem:$0x3FAF] =	sst s1  }
0xa: {  	[smem:$0x3FB0] =	sst s2  }
0xb: {  	[smem:$0x3FB1] =	sst s3  }
0xc: {  	[smem:$0x3FB2] =	sst s4  }
0xd: {  	[smem:$0x3FB3] =	sst s5  }
0xe: {  	[smem:$0x3FB4] =	sst s6  }
0xf: {  	[smem:$0x3FB5] =	sst s7  }
0x10: {  	[smem:$0x3FB6] =	sst s8  }
0x11: {  	[smem:$0x3FB7] =	sst s9;
	s0 =	simm.s32 @!p0 $0x0  }
0x12: {  	s1 =	sld [smem:$0x3F9D];
	s0 =	simm.s32 @p0 $0x1  }
0x13: {  	[smem:$0x3FB8] =	sst s0;
	s0 =	simm.s32 @!p1 $0x0  }
0x14: {  	s2 =	sld [smem:$0x3F9C];
	s0 =	simm.s32 @p1 $0x1  }
0x15: {  	[smem:$0x3FB9] =	sst s0;
	s0 =	simm.s32 @!p2 $0x0  }
0x16: {  	s3 =	sld [smem:$0x3FDB];
	s0 =	simm.s32 @p2 $0x1  }
0x17: {  	s4 =	simm.s32 $0x1BF5;
	[smem:$0x3FBB] =	sst s0  }
0x18: {  	s0 =	sld [smem:$0x3F9E];
	_ =	swait.ge [sflag:s4], $0x0  }
0x19: {  	s7 =	sld [smem:$0x3F9F]  }
0x1a: {  	s8 =	sadd.s32 $0xFFFFE003, lr  }
0x1b: {  	s9 =	sadd.s32 $0xFFFFFEF7, lr;
	s5 =	simm.s32 $0xFFFFFFFF;
	p2 =	slt.u32 s8, $0xFFFFF086  }
0x1c: {  	p1 =	slt.u32 s9, $0xF7A;
	s5 =	simm.s32 @!p2 $0x0  }
0x1d: {  	s5 =	simm.s32 @p1 $0x1;
	p0 =	seq.s32 s7, s2  }
0x1e: {  	s7 =	smul.u32 @!p0 $0xF7A, s2;
	p2 =	seq.s32 @!p0 s5, $0x0  }
0x1f: {  	s9 =	smul.u32 $0xF7A, s1;
	s8 =	simm.s32 @!p0 $0x1BF5;
	p2 =	por !p2, p0  }
0x20: {  	[sflag:s8] =	ssyncset.s32 @!p0 $0xFFFFF086;
	s6 =	sadd.s32 @!p0 s3, s7;
	s7 =	simm.s32 @!p0 $0x108  }
0x21: {  	s3 =	sadd.s32 s3, s9;
	s6 =	sadd.s32 @!p0 $0x88, s6;
	s7 =	simm.s32 @p2 $0x1082  }
0x22: {  	[simem:s7], [sflag:s8] =	dma.local @!p0 [hbm:s6], $0xF7A  }
0x23: {  	s9 =	sor.u32 $0xD0000000, s2;
	s6 =	simm.s32 $0x108;
	_ =	swait.ge @!p0 [sflag:s8], $0x0  }
0x24: {  	s3 =	sadd.s32 $0x88, s3;
	s6 =	simm.s32 @!p1 $0x1082;
	[sflag:s4] =	ssyncset.s32 $0xFFFFF086  }
0x25: {  	[simem:s6], [sflag:s4] =	dma.local [hbm:s3], $0xF7A  }
0x26: {  	[smem:$0x3F9F] =	sst s1;
	(tag) =	ssettag s2;
	_ =	strace s9  }
0x27: {  	s1 =	sld [smem:$0x3FAF]  }
0x28: {  	s2 =	sld [smem:$0x3FB0]  }
0x29: {  	s4 =	sld [smem:$0x3FB2]  }
0x2a: {  	p0 =	seq.s32 s5, $0x0;
	s5 =	sld [smem:$0x3FB3]  }
0x2b: {  	s6 =	sld [smem:$0x3FB4]  }
0x2c: {  	s7 =	sld [smem:$0x3FB5]  }
0x2d: {  	s3 =	simm.s32 $0x108;
	s8 =	sld [smem:$0x3FB6]  }
0x2e: {  	s3 =	simm.s32 @!p0 $0x1082;
	s9 =	sld [smem:$0x3FB7]  }
0x2f: {  	lr =	sadd.s32 s0, s3;
	s0 =	sld [smem:$0x3FAE]  }
0x30: {  	s3 =	sld [smem:$0x3FB1]  }
0x31: {  	[smem:$0x3FBA] =	sst s10  }
0x32: {  	s10 =	sld [smem:$0x3FB8];
	_ =	sdelay $0x3  }
0x33: {  	p0 =	seq.s32 s10, $0x1;
	s10 =	sld [smem:$0x3FBA];
	_ =	sdelay $0x3  }
0x34: {  	[smem:$0x3FBA] =	sst s10  }
0x35: {  	s10 =	sld [smem:$0x3FB9];
	_ =	sdelay $0x3  }
0x36: {  	p1 =	seq.s32 s10, $0x1;
	s10 =	sld [smem:$0x3FBA];
	_ =	sdelay $0x3  }
0x37: {  	[smem:$0x3FBA] =	sst s10  }
0x38: {  	s10 =	sld [smem:$0x3FBB]  }
0x39: {  	_ = 	snop;
	(pc) =	sbr.ind lr, $3  }
0x3a: {  	_ = 	snop  }
0x3b: {  	_ = 	snop  }
0x3c: {  	p2 =	seq.s32 s10, $0x1;
	s10 =	sld [smem:$0x3FBA]  }
0x3d: {  	_ =	shalt  }
0x3e: {  	_ =	shalt  }
0x3f: {  	_ =	shalt  }
0x40: {  	_ =	shalt  }
0x41: {  	_ =	shalt  }
0x42: {  	_ =	shalt  }
0x43: {  	_ =	shalt  }
0x44: {  	_ =	shalt  }
0x45: {  	_ =	shalt  }
0x46: {  	_ =	shalt  }
0x47: {  	_ =	shalt  }
0x48: {  	_ =	shalt  }
0x49: {  	_ =	shalt  }
0x4a: {  	_ =	shalt  }
0x4b: {  	_ =	shalt  }
0x4c: {  	_ =	shalt  }
0x4d: {  	_ =	shalt  }
0x4e: {  	_ =	shalt  }
0x4f: {  	_ =	shalt  }
0x50: {  	_ =	shalt  }
0x51: {  	_ =	shalt  }
0x52: {  	_ =	shalt  }
0x53: {  	_ =	shalt  }
0x54: {  	_ =	shalt  }
0x55: {  	_ =	shalt  }
0x56: {  	_ =	shalt  }
0x57: {  	_ =	shalt  }
0x58: {  	_ =	shalt  }
0x59: {  	_ =	shalt  }
0x5a: {  	_ =	shalt  }
0x5b: {  	_ =	shalt  }
0x5c: {  	_ =	shalt  }
0x5d: {  	_ =	shalt  }
0x5e: {  	_ =	shalt  }
0x5f: {  	_ =	shalt  }
0x60: {  	_ =	shalt  }
0x61: {  	_ =	shalt  }
0x62: {  	_ =	shalt  }
0x63: {  	_ =	shalt  }
0x64: {  	_ =	shalt  }
0x65: {  	_ =	shalt  }
0x66: {  	_ =	shalt  }
0x67: {  	_ =	shalt  }
0x68: {  	_ =	shalt  }
0x69: {  	_ =	shalt  }
0x6a: {  	_ =	shalt  }
0x6b: {  	_ =	shalt  }
0x6c: {  	_ =	shalt  }
0x6d: {  	_ =	shalt  }
0x6e: {  	_ =	shalt  }
0x6f: {  	_ =	shalt  }
0x70: {  	_ =	shalt  }
0x71: {  	_ =	shalt  }
0x72: {  	_ =	shalt  }
0x73: {  	_ =	shalt  }
0x74: {  	_ =	shalt  }
0x75: {  	_ =	shalt  }
0x76: {  	_ =	shalt  }
0x77: {  	_ =	shalt  }
0x78: {  	_ =	shalt  }
0x79: {  	_ =	shalt  }
0x7a: {  	_ =	shalt  }
0x7b: {  	_ =	shalt  }
0x7c: {  	_ =	shalt  }
0x7d: {  	_ =	shalt  }
0x7e: {  	_ =	shalt  }
0x7f: {  	_ =	shalt  }
0x80: {  	_ =	shalt  }
0x81: {  	_ =	shalt  }
0x82: {  	_ =	shalt  }
0x83: {  	_ =	shalt  }
0x84: {  	_ =	shalt  }
0x85: {  	_ =	shalt  }
0x86: {  	_ =	shalt  }
0x87: {  	_ =	shalt  }
.Lfunc_end0:
.L_simem_size_0:
called_computation_lowered:
.L_overlay_start_0:
0x88: {  	s2 =	sld [smem:$0x3FD9]  }
0x89: {  	s3 =	sld [smem:$0x3FFE];
	_ =	sdelay $0x1  }
0x8a: {  	s1 =	srdreg.scid  }
0x8b: {  	s0 =	sand.u32 $0x1, s1  }
0x8c: {  	s16 =	sshll.u32 s0, $0xA;
	s2 =	sadd.s32 s3, s2  }
0x8d: {  	s2 =	sadd.s32 s2, s16  }
0x8e: {  	[smem:$0x3FC6] =	sst s2  }
0x8f: {  	_ = 	snop  }
0x90: {  	(tm) =	ssettm $0x1  }
0x91: {  	s17 =	sld [smem:$0x3FFB];
	_ =	sdelay $0x3  }
0x92: {  	_ =	strace s17  }
0x93: {  	s2 =	sld [smem:$0x3FFC];
	_ =	sdelay $0x3  }
0x94: {  	_ =	strace s2  }
0x95: {  	s2 =	sld [smem:$0x3FFD];
	_ =	sdelay $0x3  }
0x96: {  	_ =	strace s2  }
0x97: {  	_ =	strace $0x8FFFFFFF  }
0x98: {  	s18 =	sld [smem:$0x3FDB];
	_ =	sdelay $0x1  }
0x99: {  	s19 =	simm.s32 $_scs_section_size  }
0x9a: {  	s4 =	simm.s32 $_size__tile_overlayer_lowered;
	s5 =	simm.s32 $_tile_overlayer_lowered  }
0x9b: {  	s22 =	simm.s32 $0x1BFF;
	s21 =	sshll.u32 s5, $0x1;
	s2 =	sadd.s32 s19, s18  }
0x9c: {  	s6 =	simm.s32 $0x0;
	s20 =	sshll.u32 s4, $0x1;
	s4 =	sadd.s32 s21, s2  }
0x9d: {  	[timem:s6], [sflag:s22] =	dma.local [hbm:s4], s20  }
0x9e: {  	_ =	swait.ge [sflag:s22], s20  }
0x9f: {  	s3 =	ssub.s32 $0x0, s20;
	[sflag:s22] =	ssyncset.done $0x0  }
0xa0: {  	[sflag:s22] =	ssyncadd.s32 s3;
	_ =	sdelay $0x1  }
0xa1: {  	s23 =	simm.s32 $0x1B8B  }
0xa2: {  	_ =	swait.ge [sflag:s23], $0x1  }
0xa3: {  	[sflag:s23] =	ssyncset.done $0x0  }
0xa4: {  	s25 =	simm.s32 $0x1B8E;
	s24 =	sld [smem:$0x3FFE];
	[sflag:s23] =	ssyncadd.s32 $0xFFFFFFFF  }
0xa5: {  	s26 =	simm.s32 $execute0_lowered;
	[smem:$0x3FD2] =	sst s25  }
0xa6: {  	s4 =	sshll.u32 s26, $0x1;
	_ =	strace $0x80000046;
	[dreg:$0x1] =	wrdreg $0xFFFFFFFF  }
0xa7: {  	s28 =	simm.s32 $_size_execute0_lowered;
	s2 =	sadd.s32 s2, s4;
	[dreg:$0x0] =	wrdreg $0x0  }
0xa8: {  	s4 =	sshll.u32 s28, $0x1;
	[dreg:$0x2] =	wrdreg s2  }
0xa9: {  	[dreg:$0x3] =	wrdreg s4  }
0xaa: {  	[dreg:$0x4] =	wrdreg $0xC0  }
0xab: {  	_ =	task [dreg:s6], $0x5FFFF  }
0xac: {  	[dreg:$0x1] =	wrdreg $0xFFFFFFFF  }
0xad: {  	[dreg:$0x0] =	wrdreg $0x60  }
0xae: {  	[dreg:$0x2] =	wrdreg s24  }
0xaf: {  	[dreg:$0x3] =	wrdreg $0x9  }
0xb0: {  	_ =	task.clear_ibuf [dreg:s6], $0x4FFFF;
	_ =	strace $0x90000046  }
0xb1: {  	s29 =	simm.s32 $0x9;
	_ =	strace $0x80000048  }
0xb2: {  	_ =	swait.ge [sflag:s29], $0x1  }
0xb3: {  	[sflag:s29] =	ssyncadd.s32 $0xFFFFFFFF  }
0xb4: {  	_ =	strace $0x90000048  }
0xb5: {  	_ =	sfence  }
0xb6: {  	s30 =	sld [smem:$0x0];
	_ =	sdelay $0x2  }
0xb7: {  	s31 =	sshll.u32 s1, $0xD;
	s1 =	sshrl.u32 s1, $0x2  }
0xb8: {  	s3 =	sand.u32 $0x4000, s31;
	s1 =	sadd.s32 s1, s30  }
0xb9: {  	s0 =	sor.u32 s3, s0;
	s1 =	sshll.u32 s1, $0x11  }
0xba: {  	s0 =	sor.u32 s1, s0  }
0xbb: {  	s0 =	sadd.s32 $0x8F2B, s0  }
0xbc: {  	[sflag:s0] =	ssyncadd.remote.s32 $0x1  }
0xbd: {  	_ =	sfence.sel $0xFFFF  }
0xbe: {  	[dreg:$0x0] =	wrdreg $0xFFFFFFFF;
	(pc) =	sbr.abs _section_cstart, $3  }
0xbf: {  	[dreg:$0x1] =	wrdreg $0xFFFFFFFF  }
0xc0: {  	_ =	task.clear_ibuf [dreg:s6], $0x2FFFF;
	_ =	strace $0x9FFFFFFF  }
0xc1: {  	(tm) =	ssettm $0x7FFFFFFF  }
tec
execute0_lowered:
.L_overlay_start_1:
0x0: {  	(tag) =	ssettag $0x1  }
0x1: {  	s1 =	srdreg.scid;
	s0 =	stileid.u32  }
0x2: {  	s5 =	rddreg [dreg:$0x0];
	s3 =	sand.u32 $0x1, s1;
	s4 =	sshll.u32 s0, $0x1  }
0x3: {  	s2 =	simm.s32 $0x0;
	s1 =	rddreg [dreg:$0x1];
	s4 =	sor.u32 s3, s4  }
0x4: {  	[smem:$0x7FF] =	sst s2;
	s8 =	ssub.s32 $0x2, s3;
	s6 =	sshll.u32 s4, $0x9  }
0x5: {  	_ =	strace $0x80000047;
	s30 =	sshrl.u32 s8, $0x1;
	s6 =	sadd.s32 s6, s5  }
0x6: {  	s7 =	sshll.u32 s4, $0x8;
	s4 =	sadd.s32 $0x1200, s6;
	s6 =	ssub.s32 s8, s30  }
0x7: {  	[hbm4b:s4+s2] =	stream.linear.scatter [tilespmem:s2], [sflag:$0x1], $0x1000, $0x38;
	[tilespmem:$0x1800] =	vst v63  }
0x8: {  	s3 =	simm.s32 $0x1;
	s31 =	smax.u32 s6, $0x1  }
0x9: {  	_ =	swait.ge [sflag:s3], $0x1000;
	p0 =	sne.s32 s31, $0x1  }
.Ltmp0:
0xa: {  	s5 =	sadd.s32 s7, s5;
	[sflag:s3] =	ssyncset.done $0x0;
	(pc) =	sbr.rel @!p0 .LBB2_2-.Ltmp0, $4  }
0xb: {  	s5 =	sadd.s32 $0x5200, s5;
	s6 =	simm.s32 $0x1000;
	[sflag:s3] =	ssyncadd.s32 $0xFFFFF000  }
0xc: {  	[hbm4b:s5+s2] =	stream.linear.scatter [tilespmem:s6], [sflag:$0x1], $0x800, $0x38;
	[tilespmem:$0x1800] =	vst v63  }
0xd: {  	_ =	swait.ge [sflag:s3], $0x800  }
0xe: {  	s7 =	sadd.s32 $0xFFFFFFFF, s31;
	[sflag:s3] =	ssyncset.done $0x0  }
.LBB2_1:
0xf: {  	p0 =	sne.s32 s7, $0x1;
	s7 =	sadd.s32 $0xFFFFFFFF, s7;
	[sflag:s3] =	ssyncadd.s32 $0xFFFFF800  }
0x10: {  	[hbm4b:s4+s2] =	stream.linear.scatter [tilespmem:s2], [sflag:$0x1], $0x1000, $0x38;
	[tilespmem:$0x1800] =	vst v63  }
0x11: {  	_ =	swait.ge [sflag:s3], $0x1000  }
.Ltmp1:
0x12: {  	[sflag:s3] =	ssyncset.done $0x0;
	(pc) =	sbr.rel @p0 .LBB2_1-.Ltmp1, $4  }
0x13: {  	[sflag:s3] =	ssyncadd.s32 $0xFFFFF000  }
0x14: {  	[hbm4b:s5+s2] =	stream.linear.scatter [tilespmem:s6], [sflag:$0x1], $0x800, $0x38;
	[tilespmem:$0x1800] =	vst v63  }
0x15: {  	_ =	swait.ge [sflag:s3], $0x800  }
0x16: {  	[sflag:s3] =	ssyncset.done $0x0  }
.LBB2_2:
0x17: {  	[sflag:s3] =	ssyncadd.s32 $0xFFFFF800  }
0x18: {  	_ =	sfence.sel $0x180000  }
0x19: {  	[bflag:$0x0] =	sbarrier.arrive $0xFFFF  }
0x1a: {  	p0 =	sne.s32 s0, $0x0;
	_ =	strace $0x90000047  }
0x1b: {  	s0 =	sadd.s32 @!p0 $0x100000, s1;
	[bflag:$0x2] =	sbarrier.arrive $0xFFFF  }
0x1c: {  	[sflag:s0] =	ssyncadd.tile.s32 @!p0 $0x1;
	_ =	shalt  }
.Lfunc_end2:
_tile_overlayer_lowered:
.L_overlay_start_2:
0x1d: {  	(tag) =	ssettag $0x2  }
0x1e: {  	s0 =	rddreg [dreg:$0x0];
	s2 =	stileid.u32  }
0x1f: {  	s1 =	rddreg [dreg:$0x1];
	p0 =	sne.s32 s2, $0x0  }
0x20: {  	s3 =	rddreg [dreg:$0x2];
	[bflag:$0x3] =	sbarrier.arrive $0xFFFF;
	s2 =	simm.s32 @!p0 $0x1C01  }
0x21: {  	[timem:s3], [sflag:s2] =	dma.local @!p0 [hbm:s0], s1  }
0x22: {  	s0 =	simm.s32 @!p0 $0x1  }
0x23: {  	_ =	swait.ge @!p0 [sflag:s0], s1  }
0x24: {  	s1 =	ssub.s32 @!p0 $0x0, s1;
	[sflag:s0] =	ssyncset.done @!p0 $0x0  }
0x25: {  	[sflag:s0] =	ssyncadd.s32 @!p0 s1  }
0x26: {  	[bflag:$0x3] =	sbarrier.arrive $0xFFFF  }
0x27: {  	_ =	shalt  }

</sc_bundles>
